<compile_context>
chip_gen: v7x
topology: tpu7x:2x2x1
jax: 0.10.2.dev20260603
libtpu: 0.0.44.dev20260713+nightly
codegen_flags: <defaults>
</compile_context>

<pallas_src>
import functools

import jax
import jax.numpy as jnp
from jax import lax
from jax.experimental import pallas as pl
from jax.experimental.pallas import tpu as pltpu
from jax.experimental.pallas import tpu_sc as plsc

_Q = 1024
_MEM = 100000
_D = 128
_K = 8
_BM = 2048
_NB = (_MEM + _BM - 1) // _BM
_NEG = float("-inf")


def _topk_body(q_ref, k_ref, ti_ref, tv_s, ti_s, qn_s, sim_s):
    j = pl.program_id(0)

    @pl.when(j == 0)
    def _():
        tv_s[...] = jnp.full((_Q, _K), _NEG, jnp.float32)
        ti_s[...] = jnp.zeros((_Q, _K), jnp.int32)
        q = q_ref[...]
        qn_s[...] = q / jnp.maximum(
            jnp.sqrt(jnp.sum(q * q, axis=1, keepdims=True)), 1e-12)

    @pl.when(j < _NB)
    def _():
        kb = k_ref[...]
        kn = kb / jnp.maximum(
            jnp.sqrt(jnp.sum(kb * kb, axis=1, keepdims=True)), 1e-12)
        sim = lax.dot_general(qn_s[...], kn, (((1,), (1,)), ((), ())),
                              preferred_element_type=jnp.float32)
        colj = lax.broadcasted_iota(jnp.int32, (_Q, _BM), 1) + j * _BM
        sim = jnp.where(colj < _MEM, sim, _NEG)
        sim_s[pl.ds(lax.rem(j, 2), 1), :, :] = sim[None]

    @pl.when(j > 0)
    def _():
        jj = j - 1
        col = lax.broadcasted_iota(jnp.int32, (_Q, _BM), 1) + jj * _BM
        pm = lax.rem(jj, 2)
        slot = lax.broadcasted_iota(jnp.int32, (_Q, _K), 1)
        big = jnp.int32(2**31 - 1)

        def cond(carry):
            k, m, t8 = carry
            return jnp.logical_and(k < _K, jnp.any(m > t8))

        def body(carry):
            k, m, _ = carry
            s = sim_s[pl.ds(pm, 1), :, :][0]
            im = jnp.min(jnp.where(s == m, col, big), axis=1,
                         keepdims=True)
            masked = jnp.where(col == im, _NEG, s)
            sim_s[pl.ds(pm, 1), :, :] = masked[None]
            tv = tv_s[...]
            ti = ti_s[...]
            pos = jnp.sum((tv >= m).astype(jnp.int32), axis=1,
                          keepdims=True)
            tv_sh = jnp.concatenate([tv[:, :1], tv[:, :-1]], axis=1)
            ti_sh = jnp.concatenate([ti[:, :1], ti[:, :-1]], axis=1)
            keep = slot < pos
            at = slot == pos
            tv_new = jnp.where(keep, tv, jnp.where(at, m, tv_sh))
            ti_new = jnp.where(keep, ti, jnp.where(at, im, ti_sh))
            tv_s[...] = tv_new
            ti_s[...] = ti_new
            m_new = jnp.max(masked, axis=1, keepdims=True)
            return k + 1, m_new, tv_new[:, _K - 1:]

        m0 = jnp.max(sim_s[pl.ds(pm, 1), :, :][0], axis=1, keepdims=True)
        lax.while_loop(cond, body, (jnp.int32(0), m0, tv_s[:, _K - 1:]))

    @pl.when(j == _NB)
    def _():
        ti_ref[...] = ti_s[...]


def _topk_indices(query_embeddings, keys):
    return pl.pallas_call(
        _topk_body,
        grid=(_NB + 1,),
        in_specs=[
            pl.BlockSpec((_Q, _D), lambda j: (0, 0)),
            pl.BlockSpec((_BM, _D), lambda j: (jnp.minimum(j, _NB - 1), 0)),
        ],
        out_specs=pl.BlockSpec((_Q, _K), lambda j: (0, 0)),
        out_shape=jax.ShapeDtypeStruct((_Q, _K), jnp.int32),
        scratch_shapes=[
            pltpu.VMEM((_Q, _K), jnp.float32),
            pltpu.VMEM((_Q, _K), jnp.int32),
            pltpu.VMEM((_Q, _D), jnp.float32),
            pltpu.VMEM((2, _Q, _BM), jnp.float32),
        ],
    )(query_embeddings, keys)


def _gather_rows(values, idx_flat):
    info = plsc.get_sparse_core_info()
    nw = info.num_cores * info.num_subcores
    b = idx_flat.shape[0]
    bpw = b // nw
    mesh = plsc.VectorSubcoreMesh(core_axis_name="c", subcore_axis_name="s")

    @functools.partial(
        pl.kernel,
        out_type=jax.ShapeDtypeStruct((b, _D), jnp.float32),
        mesh=mesh,
        scratch_types=[
            pltpu.VMEM((bpw,), jnp.int32),
            pltpu.VMEM((bpw, _D), jnp.float32),
            pltpu.SemaphoreType.DMA,
        ],
    )
    def gather(values_hbm, idx_hbm, out_hbm, idx_v, rows_v, sem):
        wid = lax.axis_index("s") * info.num_cores + lax.axis_index("c")
        base = wid * bpw
        pltpu.sync_copy(idx_hbm.at[pl.ds(base, bpw)], idx_v)
        for c in range(bpw // 128):
            pltpu.async_copy(
                values_hbm.at[idx_v.at[pl.ds(c * 128, 128)]],
                rows_v.at[pl.ds(c * 128, 128)],
                sem,
            ).wait()
        pltpu.sync_copy(rows_v, out_hbm.at[pl.ds(base, bpw)])

    return gather(values, idx_flat)


def kernel(query_embeddings, keys, values, top_k):
    del top_k
    ti = _topk_indices(query_embeddings, keys)
    rows = _gather_rows(values, ti.reshape(-1))
    return rows.reshape(_Q, _K, _D)

# --- scband reference (transcript-rebuilt; emitter-appended) ---
"""Pipeline reference for scband-memory-bank-52759378264646 (READ-ONLY COPY).

The authoritative reference and input builder live on the scoring server;
editing this copy changes nothing except your own understanding.
"""

import jax, jax.numpy as jnp
import numpy as np

Q = 1024
MEM = 100000
EMBED_DIM = 128
TOP_K = 8


def _l2_normalize(x, axis, eps=1e-12):
    # matches torch.nn.functional.normalize(p=2): x / max(||x||, eps)
    norm = jnp.linalg.norm(x, ord=2, axis=axis, keepdims=True)
    return x / jnp.maximum(norm, eps)


def setup_inputs(seed: int = 0) -> dict:
    key = jax.random.key(seed)
    k1, k2, k3 = jax.random.split(key, 3)
    query_embeddings = jax.random.normal(k1, (Q, EMBED_DIM), dtype=jnp.float32)
    # memory bank state, assumed fully populated (current_size == max_memory_size)
    keys = jax.random.normal(k2, (MEM, EMBED_DIM), dtype=jnp.float32)
    values = jax.random.normal(k3, (MEM, EMBED_DIM), dtype=jnp.float32)
    return {
        "query_embeddings": query_embeddings,
        "keys": keys,
        "values": values,
        "top_k": TOP_K,
    }


def reference(query_embeddings, keys, values, top_k):
    # MemoryBank.retrieve_memory with current_size == max_memory_size
    query_norm = _l2_normalize(query_embeddings, axis=1)
    memory_keys = _l2_normalize(keys, axis=1)
    similarities = jnp.matmul(query_norm, memory_keys.T)  # [Q, MEM]
    similarities = similarities * (top_k // TOP_K)
    topk_values, topk_indices = jax.lax.top_k(similarities, TOP_K)  # sorted, largest
    retrieved_values = jnp.take(values, topk_indices, axis=0)  # [Q, top_k, EMBED_DIM]
    return retrieved_values

if __name__ == "__main__":
    import jax
    _d = setup_inputs()
    print(jax.jit(kernel)(*tuple(_d.values())))

</pallas_src>

<mosaic_0001>
#map = affine_map<(d0, d1) -> (0, 0)>
#map1 = affine_map<(d0, d1) -> (0)>
module attributes {stable_mosaic.version = 14 : i64} {
  func.func @gather(%arg0: i32, %arg1: i32, %arg2: memref<100000x128xf32, #tpu.memory_space<hbm>>, %arg3: memref<8192xi32, #tpu.memory_space<hbm>>, %arg4: memref<8192x128xf32, #tpu.memory_space<hbm>>, %arg5: memref<256xi32, #tpu.memory_space<vmem>>, %arg6: memref<256x128xf32, #tpu.memory_space<vmem>>, %arg7: memref<!tpu.dma_semaphore, #tpu.memory_space<semaphore_mem>>) attributes {dimension_semantics = [#tpu.dimension_semantics<core_parallel>, #tpu.dimension_semantics<subcore_parallel>], iteration_bounds = array<i64: 2, 16>, scalar_prefetch = 0 : i64, scratch_operands = 3 : i64, tpu.core_type = #tpu.core_type<sc_vector_subcore>, window_params = [{transform_indices = #map}, {transform_indices = #map1}, {transform_indices = #map}]} {
    %mul3A = arith.constant 2 : i32
    %mul3A_0 = arith.muli %arg1, %mul3A : i32
    %add3A = arith.addi %mul3A_0, %arg0 : i32
    %mul3A_1 = arith.constant 256 : i32
    %mul3A_2 = arith.muli %add3A, %mul3A_1 : i32
    "tpu.region"() ({
      %run_scoped3A = tpu.sem_alloc : memref<!tpu.dma_semaphore, #tpu.memory_space<semaphore_mem>>
      %dma_start3A_33 = tpu.memref_slice %arg3[%mul3A_2] : memref<8192xi32, #tpu.memory_space<hbm>> -> memref<256xi32, #tpu.memory_space<hbm>>
      %dma_start3A_34 = tpu.memref_slice %arg3[%mul3A_2] : memref<8192xi32, #tpu.memory_space<hbm>> -> memref<256xi32, #tpu.memory_space<hbm>>
      tpu.enqueue_dma source(%dma_start3A_34 : memref<256xi32, #tpu.memory_space<hbm>>) target(%arg5 : memref<256xi32, #tpu.memory_space<vmem>>) target_semaphore(%run_scoped3A : memref<!tpu.dma_semaphore, #tpu.memory_space<semaphore_mem>>)
      %dma_wait3A_35 = tpu.memref_slice %arg3[%mul3A_2] : memref<8192xi32, #tpu.memory_space<hbm>> -> memref<256xi32, #tpu.memory_space<hbm>>
      %dma_wait3A_36 = tpu.memref_slice %arg3[%mul3A_2] : memref<8192xi32, #tpu.memory_space<hbm>> -> memref<256xi32, #tpu.memory_space<hbm>>
      tpu.wait_dma2 semaphore(%run_scoped3A : memref<!tpu.dma_semaphore, #tpu.memory_space<semaphore_mem>>) src(%dma_wait3A_36 : memref<256xi32, #tpu.memory_space<hbm>>) dst(%arg5 : memref<256xi32, #tpu.memory_space<vmem>>)
      tpu.yield
    }) : () -> ()
    %dma_start3A = arith.constant 0 : i32
    %dma_start3A_3 = arith.constant 0 : i32
    %dma_start3A_4 = tpu.memref_slice %arg6[%dma_start3A, %dma_start3A_3] : memref<256x128xf32, #tpu.memory_space<vmem>> -> memref<128x128xf32, #tpu.memory_space<vmem>>
    %dma_start3A_5 = arith.constant 0 : i32
    %dma_start3A_6 = tpu.memref_slice %arg5[%dma_start3A_5] : memref<256xi32, #tpu.memory_space<vmem>> -> memref<128xi32, #tpu.memory_space<vmem>>
    %dma_start3A_7 = arith.constant 0 : i32
    %dma_start3A_8 = arith.constant 0 : i32
    %dma_start3A_9 = tpu.memref_slice %arg2[%dma_start3A_7, %dma_start3A_8] : memref<100000x128xf32, #tpu.memory_space<hbm>> -> memref<100000x128xf32, #tpu.memory_space<hbm>>
    tpu.enqueue_indirect_dma source(%dma_start3A_9 : memref<100000x128xf32, #tpu.memory_space<hbm>>) target(%dma_start3A_4 : memref<128x128xf32, #tpu.memory_space<vmem>>) offsets(%dma_start3A_6 : memref<128xi32, #tpu.memory_space<vmem>>) semaphore(%arg7 : memref<!tpu.dma_semaphore, #tpu.memory_space<semaphore_mem>>)
    %dma_wait3A = arith.constant 0 : i32
    %dma_wait3A_10 = arith.constant 0 : i32
    %dma_wait3A_11 = tpu.memref_slice %arg6[%dma_wait3A, %dma_wait3A_10] : memref<256x128xf32, #tpu.memory_space<vmem>> -> memref<128x128xf32, #tpu.memory_space<vmem>>
    %dma_wait3A_12 = arith.constant 0 : i32
    %dma_wait3A_13 = tpu.memref_slice %arg5[%dma_wait3A_12] : memref<256xi32, #tpu.memory_space<vmem>> -> memref<128xi32, #tpu.memory_space<vmem>>
    %dma_wait3A_14 = arith.constant 0 : i32
    %dma_wait3A_15 = arith.constant 0 : i32
    %dma_wait3A_16 = tpu.memref_slice %arg2[%dma_wait3A_14, %dma_wait3A_15] : memref<100000x128xf32, #tpu.memory_space<hbm>> -> memref<100000x128xf32, #tpu.memory_space<hbm>>
    tpu.wait_indirect_dma semaphore(%arg7 : memref<!tpu.dma_semaphore, #tpu.memory_space<semaphore_mem>>) src(%dma_wait3A_16 : memref<100000x128xf32, #tpu.memory_space<hbm>>) dst(%dma_wait3A_11 : memref<128x128xf32, #tpu.memory_space<vmem>>)
    %dma_start3A_17 = arith.constant 128 : i32
    %dma_start3A_18 = arith.constant 0 : i32
    %dma_start3A_19 = tpu.memref_slice %arg6[%dma_start3A_17, %dma_start3A_18] : memref<256x128xf32, #tpu.memory_space<vmem>> -> memref<128x128xf32, #tpu.memory_space<vmem>>
    %dma_start3A_20 = arith.constant 128 : i32
    %dma_start3A_21 = tpu.memref_slice %arg5[%dma_start3A_20] : memref<256xi32, #tpu.memory_space<vmem>> -> memref<128xi32, #tpu.memory_space<vmem>>
    %dma_start3A_22 = arith.constant 0 : i32
    %dma_start3A_23 = arith.constant 0 : i32
    %dma_start3A_24 = tpu.memref_slice %arg2[%dma_start3A_22, %dma_start3A_23] : memref<100000x128xf32, #tpu.memory_space<hbm>> -> memref<100000x128xf32, #tpu.memory_space<hbm>>
    tpu.enqueue_indirect_dma source(%dma_start3A_24 : memref<100000x128xf32, #tpu.memory_space<hbm>>) target(%dma_start3A_19 : memref<128x128xf32, #tpu.memory_space<vmem>>) offsets(%dma_start3A_21 : memref<128xi32, #tpu.memory_space<vmem>>) semaphore(%arg7 : memref<!tpu.dma_semaphore, #tpu.memory_space<semaphore_mem>>)
    %dma_wait3A_25 = arith.constant 128 : i32
    %dma_wait3A_26 = arith.constant 0 : i32
    %dma_wait3A_27 = tpu.memref_slice %arg6[%dma_wait3A_25, %dma_wait3A_26] : memref<256x128xf32, #tpu.memory_space<vmem>> -> memref<128x128xf32, #tpu.memory_space<vmem>>
    %dma_wait3A_28 = arith.constant 128 : i32
    %dma_wait3A_29 = tpu.memref_slice %arg5[%dma_wait3A_28] : memref<256xi32, #tpu.memory_space<vmem>> -> memref<128xi32, #tpu.memory_space<vmem>>
    %dma_wait3A_30 = arith.constant 0 : i32
    %dma_wait3A_31 = arith.constant 0 : i32
    %dma_wait3A_32 = tpu.memref_slice %arg2[%dma_wait3A_30, %dma_wait3A_31] : memref<100000x128xf32, #tpu.memory_space<hbm>> -> memref<100000x128xf32, #tpu.memory_space<hbm>>
    tpu.wait_indirect_dma semaphore(%arg7 : memref<!tpu.dma_semaphore, #tpu.memory_space<semaphore_mem>>) src(%dma_wait3A_32 : memref<100000x128xf32, #tpu.memory_space<hbm>>) dst(%dma_wait3A_27 : memref<128x128xf32, #tpu.memory_space<vmem>>)
    "tpu.region"() ({
      %run_scoped3A = tpu.sem_alloc : memref<!tpu.dma_semaphore, #tpu.memory_space<semaphore_mem>>
      %dma_start3A_33 = arith.constant 0 : i32
      %dma_start3A_34 = tpu.memref_slice %arg4[%mul3A_2, %dma_start3A_33] : memref<8192x128xf32, #tpu.memory_space<hbm>> -> memref<256x128xf32, #tpu.memory_space<hbm>>
      %dma_start3A_35 = arith.constant 0 : i32
      %dma_start3A_36 = tpu.memref_slice %arg4[%mul3A_2, %dma_start3A_35] : memref<8192x128xf32, #tpu.memory_space<hbm>> -> memref<256x128xf32, #tpu.memory_space<hbm>>
      tpu.enqueue_dma source(%arg6 : memref<256x128xf32, #tpu.memory_space<vmem>>) target(%dma_start3A_36 : memref<256x128xf32, #tpu.memory_space<hbm>>) target_semaphore(%run_scoped3A : memref<!tpu.dma_semaphore, #tpu.memory_space<semaphore_mem>>)
      %dma_wait3A_37 = arith.constant 0 : i32
      %dma_wait3A_38 = tpu.memref_slice %arg4[%mul3A_2, %dma_wait3A_37] : memref<8192x128xf32, #tpu.memory_space<hbm>> -> memref<256x128xf32, #tpu.memory_space<hbm>>
      %dma_wait3A_39 = arith.constant 0 : i32
      %dma_wait3A_40 = tpu.memref_slice %arg4[%mul3A_2, %dma_wait3A_39] : memref<8192x128xf32, #tpu.memory_space<hbm>> -> memref<256x128xf32, #tpu.memory_space<hbm>>
      tpu.wait_dma2 semaphore(%run_scoped3A : memref<!tpu.dma_semaphore, #tpu.memory_space<semaphore_mem>>) src(%arg6 : memref<256x128xf32, #tpu.memory_space<vmem>>) dst(%dma_wait3A_40 : memref<256x128xf32, #tpu.memory_space<hbm>>)
      tpu.yield
    }) : () -> ()
    return
  }
}

module attributes {stable_mosaic.version = 14 : i64} {
  func.func @_topk_body(%arg0: i32, %arg1: memref<1024x128xf32, #tpu.memory_space<vmem>>, %arg2: memref<2048x128xf32, #tpu.memory_space<vmem>>, %arg3: memref<1024x8xi32, #tpu.memory_space<vmem>>, %arg4: memref<1024x8xf32, #tpu.memory_space<vmem>>, %arg5: memref<1024x8xi32, #tpu.memory_space<vmem>>, %arg6: memref<1024x128xf32, #tpu.memory_space<vmem>>, %arg7: memref<2x1024x2048xf32, #tpu.memory_space<vmem>>) attributes {dimension_semantics = [#tpu.dimension_semantics<arbitrary>], iteration_bounds = array<i64: 50>, scalar_prefetch = 0 : i64, scratch_operands = 4 : i64, tpu.core_type = #tpu.core_type<tc>, window_params = [{pipeline_mode = #tpu.pipeline_mode<synchronous>, transform_indices = @transform_0, window_bounds = array<i64: 1024, 128>}, {transform_indices = @transform_1, window_bounds = array<i64: 2048, 128>}, {pipeline_mode = #tpu.pipeline_mode<synchronous>, transform_indices = @transform_2, window_bounds = array<i64: 1024, 8>}]} {
    %eq3A = arith.constant 0 : i32
    %eq3A_0 = arith.cmpi eq, %arg0, %eq3A : i32
    %convert_element_type3A = arith.extui %eq3A_0 : i1 to i32
    %cond3A = arith.constant 0 : i32
    %cond3A_1 = arith.cmpi ne, %convert_element_type3A, %cond3A : i32
    scf.if %cond3A_1 {
      %broadcast_in_dim3A = arith.constant 0xFF800000 : f32
      %broadcast_in_dim3A_15 = vector.broadcast %broadcast_in_dim3A : f32 to vector<1024x8xf32>
      %swap3A = arith.constant 0 : index
      %swap3A_16 = arith.constant 0 : index
      %swap3A_17 = vector.load %arg4[%swap3A, %swap3A_16] : memref<1024x8xf32, #tpu.memory_space<vmem>>, vector<1024x8xf32>
      tpu.vector_store %arg4[%swap3A, %swap3A_16], %broadcast_in_dim3A_15 {strides = array<i32>} : memref<1024x8xf32, #tpu.memory_space<vmem>>, vector<1024x8xf32>,
      %broadcast_in_dim3A_18 = arith.constant 0 : i32
      %broadcast_in_dim3A_19 = vector.broadcast %broadcast_in_dim3A_18 : i32 to vector<1024x8xi32>
      %swap3A_20 = arith.constant 0 : index
      %swap3A_21 = arith.constant 0 : index
      %swap3A_22 = vector.load %arg5[%swap3A_20, %swap3A_21] : memref<1024x8xi32, #tpu.memory_space<vmem>>, vector<1024x8xi32>
      tpu.vector_store %arg5[%swap3A_20, %swap3A_21], %broadcast_in_dim3A_19 {strides = array<i32>} : memref<1024x8xi32, #tpu.memory_space<vmem>>, vector<1024x8xi32>,
      %get3A = arith.constant 0 : index
      %get3A_23 = arith.constant 0 : index
      %get3A_24 = vector.load %arg1[%get3A, %get3A_23] : memref<1024x128xf32, #tpu.memory_space<vmem>>, vector<1024x128xf32>
      %mul3A = arith.mulf %get3A_24, %get3A_24 : vector<1024x128xf32>
      %reduce_sum3A = arith.constant dense<0.000000e+00> : vector<1024xf32>
      %reduce_sum3A_25 = vector.multi_reduction <add>, %mul3A, %reduce_sum3A [1] : vector<1024x128xf32> to vector<1024xf32>
      %broadcast_in_dim3A_26 = vector.shape_cast %reduce_sum3A_25 : vector<1024xf32> to vector<1024x1xf32>
      %sqrt3A = math.sqrt %broadcast_in_dim3A_26 : vector<1024x1xf32>
      %max3A = arith.constant 9.99999996E-13 : f32
      %max3A_27 = vector.broadcast %max3A : f32 to vector<1024x1xf32>
      %max3A_28 = arith.maximumf %sqrt3A, %max3A_27 : vector<1024x1xf32>
      %div3A = vector.broadcast %max3A_28 : vector<1024x1xf32> to vector<1024x128xf32>
      %div3A_29 = arith.divf %get3A_24, %div3A : vector<1024x128xf32>
      %swap3A_30 = arith.constant 0 : index
      %swap3A_31 = arith.constant 0 : index
      %swap3A_32 = vector.load %arg6[%swap3A_30, %swap3A_31] : memref<1024x128xf32, #tpu.memory_space<vmem>>, vector<1024x128xf32>
      tpu.vector_store %arg6[%swap3A_30, %swap3A_31], %div3A_29 {strides = array<i32>} : memref<1024x128xf32, #tpu.memory_space<vmem>>, vector<1024x128xf32>,
    } else {
    }
    %lt3A = arith.constant 49 : i32
    %lt3A_2 = arith.cmpi slt, %arg0, %lt3A : i32
    %convert_element_type3A_3 = arith.extui %lt3A_2 : i1 to i32
    %cond3A_4 = arith.constant 0 : i32
    %cond3A_5 = arith.cmpi ne, %convert_element_type3A_3, %cond3A_4 : i32
    scf.if %cond3A_5 {
      %get3A = arith.constant 0 : index
      %get3A_15 = arith.constant 0 : index
      %get3A_16 = vector.load %arg2[%get3A, %get3A_15] : memref<2048x128xf32, #tpu.memory_space<vmem>>, vector<2048x128xf32>
      %mul3A = arith.mulf %get3A_16, %get3A_16 : vector<2048x128xf32>
      %reduce_sum3A = arith.constant dense<0.000000e+00> : vector<2048xf32>
      %reduce_sum3A_17 = vector.multi_reduction <add>, %mul3A, %reduce_sum3A [1] : vector<2048x128xf32> to vector<2048xf32>
      %broadcast_in_dim3A = vector.shape_cast %reduce_sum3A_17 : vector<2048xf32> to vector<2048x1xf32>
      %sqrt3A = math.sqrt %broadcast_in_dim3A : vector<2048x1xf32>
      %max3A = arith.constant 9.99999996E-13 : f32
      %max3A_18 = vector.broadcast %max3A : f32 to vector<2048x1xf32>
      %max3A_19 = arith.maximumf %sqrt3A, %max3A_18 : vector<2048x1xf32>
      %div3A = vector.broadcast %max3A_19 : vector<2048x1xf32> to vector<2048x128xf32>
      %div3A_20 = arith.divf %get3A_16, %div3A : vector<2048x128xf32>
      %get3A_21 = arith.constant 0 : index
      %get3A_22 = arith.constant 0 : index
      %get3A_23 = vector.load %arg6[%get3A_21, %get3A_22] : memref<1024x128xf32, #tpu.memory_space<vmem>>, vector<1024x128xf32>
      %dot_general3A = arith.constant dense<0.000000e+00> : vector<1024x2048xf32>
      %dot_general3A_24 = tpu.matmul %get3A_23, %div3A_20, %dot_general3A {dimension_numbers = #tpu.dot_dimension_numbers<[1], [1], [0], [0], [0, 0, 1, 0], [], []>, transpose_lhs_hint = false} : vector<1024x128xf32>, vector<2048x128xf32>, vector<1024x2048xf32> -> vector<1024x2048xf32>
      %iota3A = tpu.iota {dimensions = array<i32: 1>} : vector<1024x2048xi32>
      %mul3A_25 = arith.constant 2048 : i32
      %mul3A_26 = arith.muli %arg0, %mul3A_25 : i32
      %add3A = vector.broadcast %mul3A_26 : i32 to vector<1024x2048xi32>
      %add3A_27 = arith.addi %iota3A, %add3A : vector<1024x2048xi32>
      %lt3A_28 = arith.constant 100000 : i32
      %lt3A_29 = vector.broadcast %lt3A_28 : i32 to vector<1024x2048xi32>
      %lt3A_30 = arith.cmpi slt, %add3A_27, %lt3A_29 : vector<1024x2048xi32>
      %jit3A = arith.constant 0xFF800000 : f32
      %broadcast_in_dim3A_31 = vector.broadcast %jit3A : f32 to vector<1024x2048xf32>
      %select_n3A = arith.select %lt3A_30, %dot_general3A_24, %broadcast_in_dim3A_31 : vector<1024x2048xi1>, vector<1024x2048xf32>
      %broadcast_in_dim3A_32 = vector.shape_cast %select_n3A : vector<1024x2048xf32> to vector<1x1024x2048xf32>
      %rem3A = arith.constant 2 : i32
      %rem3A_33 = arith.remsi %arg0, %rem3A : i32
      %swap3A = arith.index_cast %rem3A_33 : i32 to index
      %swap3A_34 = arith.constant 0 : index
      %swap3A_35 = arith.constant 0 : index
      %swap3A_36 = vector.load %arg7[%swap3A, %swap3A_34, %swap3A_35] : memref<2x1024x2048xf32, #tpu.memory_space<vmem>>, vector<1x1024x2048xf32>
      tpu.vector_store %arg7[%swap3A, %swap3A_34, %swap3A_35], %broadcast_in_dim3A_32 {strides = array<i32>} : memref<2x1024x2048xf32, #tpu.memory_space<vmem>>, vector<1x1024x2048xf32>,
    } else {
    }
    %gt3A = arith.constant 0 : i32
    %gt3A_6 = arith.cmpi sgt, %arg0, %gt3A : i32
    %convert_element_type3A_7 = arith.extui %gt3A_6 : i1 to i32
    %cond3A_8 = arith.constant 0 : i32
    %cond3A_9 = arith.cmpi ne, %convert_element_type3A_7, %cond3A_8 : i32
    scf.if %cond3A_9 {
      %sub3A = arith.constant 1 : i32
      %sub3A_15 = arith.subi %arg0, %sub3A : i32
      %iota3A = tpu.iota {dimensions = array<i32: 1>} : vector<1024x2048xi32>
      %mul3A = arith.constant 2048 : i32
      %mul3A_16 = arith.muli %sub3A_15, %mul3A : i32
      %add3A = vector.broadcast %mul3A_16 : i32 to vector<1024x2048xi32>
      %add3A_17 = arith.addi %iota3A, %add3A : vector<1024x2048xi32>
      %rem3A = arith.constant 2 : i32
      %rem3A_18 = arith.remsi %sub3A_15, %rem3A : i32
      %iota3A_19 = tpu.iota {dimensions = array<i32: 1>} : vector<1024x8xi32>
      %get3A = arith.index_cast %rem3A_18 : i32 to index
      %get3A_20 = arith.constant 0 : index
      %get3A_21 = arith.constant 0 : index
      %get3A_22 = vector.load %arg7[%get3A, %get3A_20, %get3A_21] : memref<2x1024x2048xf32, #tpu.memory_space<vmem>>, vector<1x1024x2048xf32>
      %squeeze3A = vector.shape_cast %get3A_22 : vector<1x1024x2048xf32> to vector<1024x2048xf32>
      %reduce_max3A = arith.constant dense<0xFF800000> : vector<1024xf32>
      %reduce_max3A_23 = vector.multi_reduction <maximumf>, %squeeze3A, %reduce_max3A [1] : vector<1024x2048xf32> to vector<1024xf32>
      %broadcast_in_dim3A = vector.shape_cast %reduce_max3A_23 : vector<1024xf32> to vector<1024x1xf32>
      %get3A_24 = arith.constant 0 : index
      %get3A_25 = arith.constant 7 : index
      %get3A_26 = vector.load %arg4[%get3A_24, %get3A_25] : memref<1024x8xf32, #tpu.memory_space<vmem>>, vector<1024x1xf32>
      %while3A = arith.constant 2147483647 : i32
      %while3A_27 = arith.constant 0 : i32
      %while3A_28:3 = scf.while (%while3A_29 = %while3A_27, %while3A_30 = %broadcast_in_dim3A, %while3A_31 = %get3A_26) : (i32, vector<1024x1xf32>, vector<1024x1xf32>) -> (i32, vector<1024x1xf32>, vector<1024x1xf32>) {
        %lt3A_32 = arith.constant 8 : i32
        %lt3A_33 = arith.cmpi slt, %while3A_29, %lt3A_32 : i32
        %gt3A_34 = arith.cmpf ogt, %while3A_30, %while3A_31 : vector<1024x1xf32>
        %reduce_or3A = arith.constant 1.000000e+00 : f32
        %reduce_or3A_35 = arith.constant 0.000000e+00 : f32
        %reduce_or3A_36 = vector.broadcast %reduce_or3A : f32 to vector<1024x1xf32>
        %reduce_or3A_37 = vector.broadcast %reduce_or3A_35 : f32 to vector<1024x1xf32>
        %reduce_or3A_38 = arith.select %gt3A_34, %reduce_or3A_36, %reduce_or3A_37 : vector<1024x1xi1>, vector<1024x1xf32>
        %reduce_or3A_39 = vector.shape_cast %reduce_or3A_38 : vector<1024x1xf32> to vector<1x1024x1xf32>
        %reduce_or3A_40 = arith.constant dense<0xFF800000> : vector<1xf32>
        %reduce_or3A_41 = vector.multi_reduction <maximumf>, %reduce_or3A_39, %reduce_or3A_40 [1, 2] : vector<1x1024x1xf32> to vector<1xf32>
        %reduce_or3A_42 = vector.shape_cast %reduce_or3A_41 : vector<1xf32> to vector<1x1x1xf32>
        %reduce_or3A_43 = vector.extract %reduce_or3A_42[0, 0, 0] : f32 from vector<1x1x1xf32>
        %reduce_or3A_44 = arith.constant 0.000000e+00 : f32
        %reduce_or3A_45 = arith.cmpf ogt, %reduce_or3A_43, %reduce_or3A_44 : f32
        %and3A = arith.andi %lt3A_33, %reduce_or3A_45 : i1
        scf.condition(%and3A) %while3A_29, %while3A_30, %while3A_31 : i32, vector<1024x1xf32>, vector<1024x1xf32>
      } do {
      ^bb0(%while3A_29: i32, %while3A_30: vector<1024x1xf32>, %while3A_31: vector<1024x1xf32>):
        %get3A_32 = arith.index_cast %rem3A_18 : i32 to index
        %get3A_33 = arith.constant 0 : index
        %get3A_34 = arith.constant 0 : index
        %get3A_35 = vector.load %arg7[%get3A_32, %get3A_33, %get3A_34] : memref<2x1024x2048xf32, #tpu.memory_space<vmem>>, vector<1x1024x2048xf32>
        %squeeze3A_36 = vector.shape_cast %get3A_35 : vector<1x1024x2048xf32> to vector<1024x2048xf32>
        %eq3A_37 = vector.broadcast %while3A_30 : vector<1024x1xf32> to vector<1024x2048xf32>
        %eq3A_38 = arith.cmpf oeq, %squeeze3A_36, %eq3A_37 : vector<1024x2048xf32>
        %broadcast_in_dim3A_39 = vector.broadcast %while3A : i32 to vector<1024x2048xi32>
        %select_n3A = arith.select %eq3A_38, %add3A_17, %broadcast_in_dim3A_39 : vector<1024x2048xi1>, vector<1024x2048xi32>
        %reduce_min3A = arith.constant dense<2147483647> : vector<1024xi32>
        %reduce_min3A_40 = vector.multi_reduction <minsi>, %select_n3A, %reduce_min3A [1] : vector<1024x2048xi32> to vector<1024xi32>
        %broadcast_in_dim3A_41 = vector.shape_cast %reduce_min3A_40 : vector<1024xi32> to vector<1024x1xi32>
        %eq3A_42 = vector.broadcast %broadcast_in_dim3A_41 : vector<1024x1xi32> to vector<1024x2048xi32>
        %eq3A_43 = arith.cmpi eq, %add3A_17, %eq3A_42 : vector<1024x2048xi32>
        %jit3A = arith.constant 0xFF800000 : f32
        %broadcast_in_dim3A_44 = vector.broadcast %jit3A : f32 to vector<1024x2048xf32>
        %select_n3A_45 = arith.select %eq3A_43, %broadcast_in_dim3A_44, %squeeze3A_36 : vector<1024x2048xi1>, vector<1024x2048xf32>
        %broadcast_in_dim3A_46 = vector.shape_cast %select_n3A_45 : vector<1024x2048xf32> to vector<1x1024x2048xf32>
        %swap3A = arith.index_cast %rem3A_18 : i32 to index
        %swap3A_47 = arith.constant 0 : index
        %swap3A_48 = arith.constant 0 : index
        %swap3A_49 = vector.load %arg7[%swap3A, %swap3A_47, %swap3A_48] : memref<2x1024x2048xf32, #tpu.memory_space<vmem>>, vector<1x1024x2048xf32>
        tpu.vector_store %arg7[%swap3A, %swap3A_47, %swap3A_48], %broadcast_in_dim3A_46 {strides = array<i32>} : memref<2x1024x2048xf32, #tpu.memory_space<vmem>>, vector<1x1024x2048xf32>,
        %get3A_50 = arith.constant 0 : index
        %get3A_51 = arith.constant 0 : index
        %get3A_52 = vector.load %arg4[%get3A_50, %get3A_51] : memref<1024x8xf32, #tpu.memory_space<vmem>>, vector<1024x8xf32>
        %get3A_53 = arith.constant 0 : index
        %get3A_54 = arith.constant 0 : index
        %get3A_55 = vector.load %arg5[%get3A_53, %get3A_54] : memref<1024x8xi32, #tpu.memory_space<vmem>>, vector<1024x8xi32>
        %ge3A = vector.broadcast %while3A_30 : vector<1024x1xf32> to vector<1024x8xf32>
        %ge3A_56 = arith.cmpf oge, %get3A_52, %ge3A : vector<1024x8xf32>
        %convert_element_type3A_57 = arith.extui %ge3A_56 : vector<1024x8xi1> to vector<1024x8xi32>
        %reduce_sum3A = arith.constant dense<0> : vector<1024xi32>
        %reduce_sum3A_58 = vector.multi_reduction <add>, %convert_element_type3A_57, %reduce_sum3A [1] : vector<1024x8xi32> to vector<1024xi32>
        %broadcast_in_dim3A_59 = vector.shape_cast %reduce_sum3A_58 : vector<1024xi32> to vector<1024x1xi32>
        %slice3A = vector.extract_strided_slice %get3A_52 {offsets = [0, 0], sizes = [1024, 1], strides = [1, 1]} : vector<1024x8xf32> to vector<1024x1xf32>
        %slice3A_60 = vector.extract_strided_slice %get3A_52 {offsets = [0, 0], sizes = [1024, 7], strides = [1, 1]} : vector<1024x8xf32> to vector<1024x7xf32>
        %concatenate3A = tpu.concatenate %slice3A, %slice3A_60 in 1 : vector<1024x1xf32>, vector<1024x7xf32> -> vector<1024x8xf32>
        %slice3A_61 = vector.extract_strided_slice %get3A_55 {offsets = [0, 0], sizes = [1024, 1], strides = [1, 1]} : vector<1024x8xi32> to vector<1024x1xi32>
        %slice3A_62 = vector.extract_strided_slice %get3A_55 {offsets = [0, 0], sizes = [1024, 7], strides = [1, 1]} : vector<1024x8xi32> to vector<1024x7xi32>
        %concatenate3A_63 = tpu.concatenate %slice3A_61, %slice3A_62 in 1 : vector<1024x1xi32>, vector<1024x7xi32> -> vector<1024x8xi32>
        %lt3A_64 = vector.broadcast %broadcast_in_dim3A_59 : vector<1024x1xi32> to vector<1024x8xi32>
        %lt3A_65 = arith.cmpi slt, %iota3A_19, %lt3A_64 : vector<1024x8xi32>
        %eq3A_66 = vector.broadcast %broadcast_in_dim3A_59 : vector<1024x1xi32> to vector<1024x8xi32>
        %eq3A_67 = arith.cmpi eq, %iota3A_19, %eq3A_66 : vector<1024x8xi32>
        %broadcast_in_dim3A_68 = vector.shape_cast %while3A_30 : vector<1024x1xf32> to vector<1024x1xf32>
        %broadcast_in_dim3A_69 = vector.broadcast %broadcast_in_dim3A_68 : vector<1024x1xf32> to vector<1024x8xf32>
        %select_n3A_70 = arith.select %eq3A_67, %broadcast_in_dim3A_69, %concatenate3A : vector<1024x8xi1>, vector<1024x8xf32>
        %select_n3A_71 = arith.select %lt3A_65, %get3A_52, %select_n3A_70 : vector<1024x8xi1>, vector<1024x8xf32>
        %broadcast_in_dim3A_72 = vector.shape_cast %broadcast_in_dim3A_41 : vector<1024x1xi32> to vector<1024x1xi32>
        %broadcast_in_dim3A_73 = vector.broadcast %broadcast_in_dim3A_72 : vector<1024x1xi32> to vector<1024x8xi32>
        %select_n3A_74 = arith.select %eq3A_67, %broadcast_in_dim3A_73, %concatenate3A_63 : vector<1024x8xi1>, vector<1024x8xi32>
        %select_n3A_75 = arith.select %lt3A_65, %get3A_55, %select_n3A_74 : vector<1024x8xi1>, vector<1024x8xi32>
        %swap3A_76 = arith.constant 0 : index
        %swap3A_77 = arith.constant 0 : index
        %swap3A_78 = vector.load %arg4[%swap3A_76, %swap3A_77] : memref<1024x8xf32, #tpu.memory_space<vmem>>, vector<1024x8xf32>
        tpu.vector_store %arg4[%swap3A_76, %swap3A_77], %select_n3A_71 {strides = array<i32>} : memref<1024x8xf32, #tpu.memory_space<vmem>>, vector<1024x8xf32>,
        %swap3A_79 = arith.constant 0 : index
        %swap3A_80 = arith.constant 0 : index
        %swap3A_81 = vector.load %arg5[%swap3A_79, %swap3A_80] : memref<1024x8xi32, #tpu.memory_space<vmem>>, vector<1024x8xi32>
        tpu.vector_store %arg5[%swap3A_79, %swap3A_80], %select_n3A_75 {strides = array<i32>} : memref<1024x8xi32, #tpu.memory_space<vmem>>, vector<1024x8xi32>,
        %reduce_max3A_82 = arith.constant dense<0xFF800000> : vector<1024xf32>
        %reduce_max3A_83 = vector.multi_reduction <maximumf>, %select_n3A_45, %reduce_max3A_82 [1] : vector<1024x2048xf32> to vector<1024xf32>
        %broadcast_in_dim3A_84 = vector.shape_cast %reduce_max3A_83 : vector<1024xf32> to vector<1024x1xf32>
        %add3A_85 = arith.constant 1 : i32
        %add3A_86 = arith.addi %while3A_29, %add3A_85 : i32
        %slice3A_87 = vector.extract_strided_slice %select_n3A_71 {offsets = [0, 7], sizes = [1024, 1], strides = [1, 1]} : vector<1024x8xf32> to vector<1024x1xf32>
        scf.yield %add3A_86, %broadcast_in_dim3A_84, %slice3A_87 : i32, vector<1024x1xf32>, vector<1024x1xf32>
      }
    } else {
    }
    %eq3A_10 = arith.constant 49 : i32
    %eq3A_11 = arith.cmpi eq, %arg0, %eq3A_10 : i32
    %convert_element_type3A_12 = arith.extui %eq3A_11 : i1 to i32
    %cond3A_13 = arith.constant 0 : i32
    %cond3A_14 = arith.cmpi ne, %convert_element_type3A_12, %cond3A_13 : i32
    scf.if %cond3A_14 {
      %get3A = arith.constant 0 : index
      %get3A_15 = arith.constant 0 : index
      %get3A_16 = vector.load %arg5[%get3A, %get3A_15] : memref<1024x8xi32, #tpu.memory_space<vmem>>, vector<1024x8xi32>
      %swap3A = arith.constant 0 : index
      %swap3A_17 = arith.constant 0 : index
      %swap3A_18 = vector.load %arg3[%swap3A, %swap3A_17] : memref<1024x8xi32, #tpu.memory_space<vmem>>, vector<1024x8xi32>
      tpu.vector_store %arg3[%swap3A, %swap3A_17], %get3A_16 {strides = array<i32>} : memref<1024x8xi32, #tpu.memory_space<vmem>>, vector<1024x8xi32>,
    } else {
    }
    return
  }
  func.func @transform_0(%arg0: i32) -> (i32, i32) {
    %c0_i32 = arith.constant 0 : i32
    %c0_i32_0 = arith.constant 0 : i32
    %c0_i32_1 = arith.constant 0 : i32
    return %c0_i32, %c0_i32_0 : i32, i32
  }
  func.func @transform_1(%arg0: i32) -> (i32, i32) {
    %min3A = arith.constant 48 : i32
    %min3A_0 = arith.minsi %arg0, %min3A : i32
    %c0_i32 = arith.constant 0 : i32
    %c0_i32_1 = arith.constant 0 : i32
    return %min3A_0, %c0_i32 : i32, i32
  }
  func.func @transform_2(%arg0: i32) -> (i32, i32) {
    %c0_i32 = arith.constant 0 : i32
    %c0_i32_0 = arith.constant 0 : i32
    %c0_i32_1 = arith.constant 0 : i32
    return %c0_i32, %c0_i32_0 : i32, i32
  }
}

</mosaic_0001>

<sc_bundles>
// kernel: kernel.4.cloned.1.call-start
scs
__scs_entry_jumppad:
0x0: {  	(pc) =	sbr.rel $0x88, $3  }
0x1: {  	(tag) =	ssettag $0x0;
	lr =	simm.s32 $0x1  }
0x2: {  	[smem:$0x3F9E] =	sst lr;
	_ =	strace $0xD0000000  }
0x3: {  	_ = 	snop  }
0x4: {  	_ = 	snop  }
0x5: {  	_ = 	snop  }
0x6: {  	_ = 	snop  }
0x7: {  	_ = 	snop  }
__scs_overlays_trampoline_lowered:
0x8: {  	[smem:$0x3FAD] =	sst s0  }
0x9: {  	[smem:$0x3FAE] =	sst s1  }
0xa: {  	[smem:$0x3FAF] =	sst s2  }
0xb: {  	[smem:$0x3FB0] =	sst s3  }
0xc: {  	[smem:$0x3FB1] =	sst s4  }
0xd: {  	[smem:$0x3FB2] =	sst s5  }
0xe: {  	[smem:$0x3FB3] =	sst s6  }
0xf: {  	[smem:$0x3FB4] =	sst s7  }
0x10: {  	[smem:$0x3FB5] =	sst s8  }
0x11: {  	[smem:$0x3FB6] =	sst s9;
	s0 =	simm.s32 @!p0 $0x0  }
0x12: {  	s1 =	sld [smem:$0x3F9C];
	s0 =	simm.s32 @p0 $0x1  }
0x13: {  	[smem:$0x3FB7] =	sst s0;
	s0 =	simm.s32 @!p1 $0x0  }
0x14: {  	s2 =	sld [smem:$0x3F9B];
	s0 =	simm.s32 @p1 $0x1  }
0x15: {  	[smem:$0x3FB8] =	sst s0;
	s0 =	simm.s32 @!p2 $0x0  }
0x16: {  	s3 =	sld [smem:$0x3FDB];
	s0 =	simm.s32 @p2 $0x1  }
0x17: {  	s4 =	simm.s32 $0x1BF5;
	[smem:$0x3FBA] =	sst s0  }
0x18: {  	s0 =	sld [smem:$0x3F9D];
	_ =	swait.ge [sflag:s4], $0x0  }
0x19: {  	s7 =	sld [smem:$0x3F9E]  }
0x1a: {  	s8 =	sadd.s32 $0xFFFFE003, lr  }
0x1b: {  	s9 =	sadd.s32 $0xFFFFFEF7, lr;
	s5 =	simm.s32 $0xFFFFFFFF;
	p2 =	slt.u32 s8, $0xFFFFF086  }
0x1c: {  	p1 =	slt.u32 s9, $0xF7A;
	s5 =	simm.s32 @!p2 $0x0  }
0x1d: {  	s5 =	simm.s32 @p1 $0x1;
	p0 =	seq.s32 s7, s2  }
0x1e: {  	s7 =	smul.u32 @!p0 $0xF7A, s2;
	p2 =	seq.s32 @!p0 s5, $0x0  }
0x1f: {  	s9 =	smul.u32 $0xF7A, s1;
	s8 =	simm.s32 @!p0 $0x1BF5;
	p2 =	por !p2, p0  }
0x20: {  	[sflag:s8] =	ssyncset.s32 @!p0 $0xFFFFF086;
	s6 =	sadd.s32 @!p0 s3, s7;
	s7 =	simm.s32 @!p0 $0x108  }
0x21: {  	s3 =	sadd.s32 s3, s9;
	s6 =	sadd.s32 @!p0 $0x88, s6;
	s7 =	simm.s32 @p2 $0x1082  }
0x22: {  	[simem:s7], [sflag:s8] =	dma.local @!p0 [hbm:s6], $0xF7A  }
0x23: {  	s9 =	sor.u32 $0xD0000000, s2;
	s6 =	simm.s32 $0x108;
	_ =	swait.ge @!p0 [sflag:s8], $0x0  }
0x24: {  	s3 =	sadd.s32 $0x88, s3;
	s6 =	simm.s32 @!p1 $0x1082;
	[sflag:s4] =	ssyncset.s32 $0xFFFFF086  }
0x25: {  	[simem:s6], [sflag:s4] =	dma.local [hbm:s3], $0xF7A  }
0x26: {  	[smem:$0x3F9E] =	sst s1;
	(tag) =	ssettag s2;
	_ =	strace s9  }
0x27: {  	s1 =	sld [smem:$0x3FAE]  }
0x28: {  	s2 =	sld [smem:$0x3FAF]  }
0x29: {  	s4 =	sld [smem:$0x3FB1]  }
0x2a: {  	p0 =	seq.s32 s5, $0x0;
	s5 =	sld [smem:$0x3FB2]  }
0x2b: {  	s6 =	sld [smem:$0x3FB3]  }
0x2c: {  	s7 =	sld [smem:$0x3FB4]  }
0x2d: {  	s3 =	simm.s32 $0x108;
	s8 =	sld [smem:$0x3FB5]  }
0x2e: {  	s3 =	simm.s32 @!p0 $0x1082;
	s9 =	sld [smem:$0x3FB6]  }
0x2f: {  	lr =	sadd.s32 s0, s3;
	s0 =	sld [smem:$0x3FAD]  }
0x30: {  	s3 =	sld [smem:$0x3FB0]  }
0x31: {  	[smem:$0x3FB9] =	sst s10  }
0x32: {  	s10 =	sld [smem:$0x3FB7];
	_ =	sdelay $0x3  }
0x33: {  	p0 =	seq.s32 s10, $0x1;
	s10 =	sld [smem:$0x3FB9];
	_ =	sdelay $0x3  }
0x34: {  	[smem:$0x3FB9] =	sst s10  }
0x35: {  	s10 =	sld [smem:$0x3FB8];
	_ =	sdelay $0x3  }
0x36: {  	p1 =	seq.s32 s10, $0x1;
	s10 =	sld [smem:$0x3FB9];
	_ =	sdelay $0x3  }
0x37: {  	[smem:$0x3FB9] =	sst s10  }
0x38: {  	s10 =	sld [smem:$0x3FBA]  }
0x39: {  	_ = 	snop;
	(pc) =	sbr.ind lr, $3  }
0x3a: {  	_ = 	snop  }
0x3b: {  	_ = 	snop  }
0x3c: {  	p2 =	seq.s32 s10, $0x1;
	s10 =	sld [smem:$0x3FB9]  }
0x3d: {  	_ =	shalt  }
0x3e: {  	_ =	shalt  }
0x3f: {  	_ =	shalt  }
0x40: {  	_ =	shalt  }
0x41: {  	_ =	shalt  }
0x42: {  	_ =	shalt  }
0x43: {  	_ =	shalt  }
0x44: {  	_ =	shalt  }
0x45: {  	_ =	shalt  }
0x46: {  	_ =	shalt  }
0x47: {  	_ =	shalt  }
0x48: {  	_ =	shalt  }
0x49: {  	_ =	shalt  }
0x4a: {  	_ =	shalt  }
0x4b: {  	_ =	shalt  }
0x4c: {  	_ =	shalt  }
0x4d: {  	_ =	shalt  }
0x4e: {  	_ =	shalt  }
0x4f: {  	_ =	shalt  }
0x50: {  	_ =	shalt  }
0x51: {  	_ =	shalt  }
0x52: {  	_ =	shalt  }
0x53: {  	_ =	shalt  }
0x54: {  	_ =	shalt  }
0x55: {  	_ =	shalt  }
0x56: {  	_ =	shalt  }
0x57: {  	_ =	shalt  }
0x58: {  	_ =	shalt  }
0x59: {  	_ =	shalt  }
0x5a: {  	_ =	shalt  }
0x5b: {  	_ =	shalt  }
0x5c: {  	_ =	shalt  }
0x5d: {  	_ =	shalt  }
0x5e: {  	_ =	shalt  }
0x5f: {  	_ =	shalt  }
0x60: {  	_ =	shalt  }
0x61: {  	_ =	shalt  }
0x62: {  	_ =	shalt  }
0x63: {  	_ =	shalt  }
0x64: {  	_ =	shalt  }
0x65: {  	_ =	shalt  }
0x66: {  	_ =	shalt  }
0x67: {  	_ =	shalt  }
0x68: {  	_ =	shalt  }
0x69: {  	_ =	shalt  }
0x6a: {  	_ =	shalt  }
0x6b: {  	_ =	shalt  }
0x6c: {  	_ =	shalt  }
0x6d: {  	_ =	shalt  }
0x6e: {  	_ =	shalt  }
0x6f: {  	_ =	shalt  }
0x70: {  	_ =	shalt  }
0x71: {  	_ =	shalt  }
0x72: {  	_ =	shalt  }
0x73: {  	_ =	shalt  }
0x74: {  	_ =	shalt  }
0x75: {  	_ =	shalt  }
0x76: {  	_ =	shalt  }
0x77: {  	_ =	shalt  }
0x78: {  	_ =	shalt  }
0x79: {  	_ =	shalt  }
0x7a: {  	_ =	shalt  }
0x7b: {  	_ =	shalt  }
0x7c: {  	_ =	shalt  }
0x7d: {  	_ =	shalt  }
0x7e: {  	_ =	shalt  }
0x7f: {  	_ =	shalt  }
0x80: {  	_ =	shalt  }
0x81: {  	_ =	shalt  }
0x82: {  	_ =	shalt  }
0x83: {  	_ =	shalt  }
0x84: {  	_ =	shalt  }
0x85: {  	_ =	shalt  }
0x86: {  	_ =	shalt  }
0x87: {  	_ =	shalt  }
.Lfunc_end0:
.L_simem_size_0:
called_computation_lowered:
.L_overlay_start_0:
0x88: {  	s2 =	sld [smem:$0x3FD9]  }
0x89: {  	s3 =	sld [smem:$0x3FFE];
	_ =	sdelay $0x1  }
0x8a: {  	s1 =	srdreg.scid  }
0x8b: {  	s0 =	sand.u32 $0x1, s1  }
0x8c: {  	s17 =	sshll.u32 s0, $0xA;
	s2 =	sadd.s32 s3, s2  }
0x8d: {  	s2 =	sadd.s32 s2, s17  }
0x8e: {  	[smem:$0x3FC5] =	sst s2  }
0x8f: {  	_ = 	snop  }
0x90: {  	s2 =	sld [smem:$0x3FC7]  }
0x91: {  	s18 =	sld [smem:$0x3FD0];
	(tm) =	ssettm $0x1  }
0x92: {  	s4 =	sld [smem:$0x3FFB];
	_ =	sdelay $0x3  }
0x93: {  	_ =	strace s4  }
0x94: {  	s4 =	sld [smem:$0x3FFC];
	_ =	sdelay $0x3  }
0x95: {  	_ =	strace s4  }
0x96: {  	s4 =	sld [smem:$0x3FFD];
	_ =	sdelay $0x3  }
0x97: {  	_ =	strace s4  }
0x98: {  	_ =	strace $0x8FFFFFFF  }
0x99: {  	s19 =	sld [smem:$0x3FDB];
	_ =	sdelay $0x1  }
0x9a: {  	s5 =	simm.s32 $_scs_section_size  }
0x9b: {  	s6 =	simm.s32 $_size__tile_overlayer_lowered;
	s7 =	simm.s32 $_tile_overlayer_lowered  }
0x9c: {  	s22 =	simm.s32 $0x1BFF;
	s21 =	sshll.u32 s7, $0x1;
	s4 =	sadd.s32 s5, s19  }
0x9d: {  	s8 =	simm.s32 $0x0;
	s20 =	sshll.u32 s6, $0x1;
	s6 =	sadd.s32 s21, s4  }
0x9e: {  	[timem:s8], [sflag:s22] =	dma.local [hbm:s6], s20  }
0x9f: {  	_ =	swait.ge [sflag:s22], s20  }
0xa0: {  	s5 =	ssub.s32 $0x0, s20;
	[sflag:s22] =	ssyncset.done $0x0  }
0xa1: {  	[sflag:s22] =	ssyncadd.s32 s5;
	_ =	sdelay $0x1  }
0xa2: {  	s23 =	simm.s32 $0x1B8B  }
0xa3: {  	_ =	swait.ge [sflag:s23], $0x1  }
0xa4: {  	[sflag:s23] =	ssyncset.done $0x0  }
0xa5: {  	s25 =	simm.s32 $0x1B8E;
	s24 =	sld [smem:$0x3FFE];
	[sflag:s23] =	ssyncadd.s32 $0xFFFFFFFF  }
0xa6: {  	s26 =	simm.s32 $execute0_lowered;
	[smem:$0x3FD2] =	sst s25  }
0xa7: {  	s6 =	sshll.u32 s26, $0x1;
	_ =	strace $0x80000046;
	[dreg:$0x1] =	wrdreg $0xFFFFFFFF  }
0xa8: {  	s28 =	simm.s32 $_size_execute0_lowered;
	s4 =	sadd.s32 s4, s6;
	[dreg:$0x0] =	wrdreg $0x0  }
0xa9: {  	s6 =	sshll.u32 s28, $0x1;
	[dreg:$0x2] =	wrdreg s4  }
0xaa: {  	[dreg:$0x3] =	wrdreg s6  }
0xab: {  	[dreg:$0x4] =	wrdreg $0xC0  }
0xac: {  	_ =	task [dreg:s8], $0x5FFFF  }
0xad: {  	[dreg:$0x1] =	wrdreg $0xFFFFFFFF  }
0xae: {  	[dreg:$0x0] =	wrdreg $0x60  }
0xaf: {  	[dreg:$0x2] =	wrdreg s2  }
0xb0: {  	[dreg:$0x3] =	wrdreg s24  }
0xb1: {  	[dreg:$0x4] =	wrdreg s18  }
0xb2: {  	[dreg:$0x5] =	wrdreg $0x9  }
0xb3: {  	_ =	task.clear_ibuf [dreg:s8], $0x6FFFF;
	_ =	strace $0x90000046  }
0xb4: {  	s29 =	simm.s32 $0x9;
	_ =	strace $0x80000048  }
0xb5: {  	_ =	swait.ge [sflag:s29], $0x1  }
0xb6: {  	[sflag:s29] =	ssyncadd.s32 $0xFFFFFFFF  }
0xb7: {  	_ =	strace $0x90000048  }
0xb8: {  	_ =	sfence  }
0xb9: {  	s30 =	sld [smem:$0x0];
	_ =	sdelay $0x2  }
0xba: {  	s31 =	sshll.u32 s1, $0xD;
	s1 =	sshrl.u32 s1, $0x2  }
0xbb: {  	s3 =	sand.u32 $0x4000, s31;
	s1 =	sadd.s32 s1, s30  }
0xbc: {  	s0 =	sor.u32 s3, s0;
	s1 =	sshll.u32 s1, $0x11  }
0xbd: {  	s0 =	sor.u32 s1, s0  }
0xbe: {  	s0 =	sadd.s32 $0x8F2B, s0  }
0xbf: {  	[sflag:s0] =	ssyncadd.remote.s32 $0x1  }
0xc0: {  	_ =	sfence.sel $0xFFFF  }
0xc1: {  	[dreg:$0x0] =	wrdreg $0xFFFFFFFF;
	(pc) =	sbr.abs _section_cstart, $3  }
0xc2: {  	[dreg:$0x1] =	wrdreg $0xFFFFFFFF  }
0xc3: {  	_ =	task.clear_ibuf [dreg:s8], $0x2FFFF;
	_ =	strace $0x9FFFFFFF  }
0xc4: {  	(tm) =	ssettm $0x7FFFFFFF  }
0xc5: {  	_ =	shalt  }
tec
execute0_lowered:
.L_overlay_start_1:
0x0: {  	(tag) =	ssettag $0x1  }
0x1: {  	s2 =	srdreg.scid  }
0x2: {  	s1 =	rddreg [dreg:$0x0];
	s0 =	stileid.u32;
	s9 =	sand.u32 $0x1, s2  }
0x3: {  	s4 =	rddreg [dreg:$0x1];
	s30 =	sshll.u32 s0, $0x9;
	s3 =	sshll.u32 s9, $0x8  }
0x4: {  	s10 =	rddreg [dreg:$0x2];
	s11 =	sor.u32 s3, s30  }
0x5: {  	s2 =	rddreg [dreg:$0x3];
	s3 =	simm.s32 $0x0;
	s5 =	sshrl.u32 s11, $0x3  }
0x6: {  	[smem:$0x7FF] =	sst s3;
	s4 =	sadd.s32 s5, s4  }
0x7: {  	_ =	strace $0x80000047;
	s5 =	sadd.s32 $0x600, s4;
	s4 =	simm.s32 $0x2  }
0x8: {  	[tilespmem:s3], [sflag:$0x2] =	stream.linear.gather [hbm4b:s5+s3], $0x100, $0x38;
	[tilespmem:$0x8100] =	vst v63  }
0x9: {  	_ =	swait.ge [sflag:s4], $0x100  }
0xa: {  	s6 =	simm.s32 $0x80;
	s7 =	simm.s32 $0x100;
	[sflag:s4] =	ssyncset.done $0x0  }
0xb: {  	s8 =	simm.s32 $0x1;
	s12 =	ssub.s32 $0x2, s9;
	[sflag:s4] =	ssyncadd.s32 $0xFFFFFF00  }
0xc: {  	[tilespmem:s7], [sflag:$0x1] =	stream.indirect.gather [hbm4b:s1+s6], $0x80, s3, s6, $0xb8;
	[tilespmem:$0x8100] =	vst v63  }
0xd: {  	s13 =	sshrl.u32 s12, $0x1;
	_ =	swait.ge [sflag:s8], $0x4000  }
0xe: {  	s12 =	ssub.s32 s12, s13;
	[sflag:s8] =	ssyncset.done $0x0  }
0xf: {  	s9 =	simm.s32 $0x4100;
	s31 =	smax.u32 s12, $0x1;
	[sflag:s8] =	ssyncadd.s32 $0xFFFFC000  }
0x10: {  	[tilespmem:s9], [sflag:$0x1] =	stream.indirect.gather [hbm4b:s1+s6], $0x80, s6, s6, $0xb8;
	[tilespmem:$0x8100] =	vst v63  }
0x11: {  	p0 =	sne.s32 s31, $0x1;
	_ =	swait.ge [sflag:s8], $0x4000  }
.Ltmp0:
0x12: {  	s11 =	sshll.u32 s11, $0x4;
	[sflag:s8] =	ssyncset.done $0x0;
	(pc) =	sbr.rel @!p0 .LBB2_2-.Ltmp0, $4  }
0x13: {  	s10 =	sadd.s32 s10, s11;
	[sflag:s8] =	ssyncadd.s32 $0xFFFFC000  }
0x14: {  	[hbm4b:s10+s3] =	stream.linear.scatter [tilespmem:s7], [sflag:$0x2], $0x8000, $0x38;
	[tilespmem:$0x8100] =	vst v63  }
0x15: {  	_ =	swait.ge [sflag:s4], $0x8000  }
0x16: {  	s11 =	sadd.s32 $0xFFFFFFFF, s31;
	[sflag:s4] =	ssyncset.done $0x0  }
.LBB2_1:
0x17: {  	p0 =	sne.s32 s11, $0x1;
	s11 =	sadd.s32 $0xFFFFFFFF, s11;
	[sflag:s4] =	ssyncadd.s32 $0xFFFF8000  }
0x18: {  	[tilespmem:s3], [sflag:$0x2] =	stream.linear.gather [hbm4b:s5+s3], $0x100, $0x38;
	[tilespmem:$0x8100] =	vst v63  }
0x19: {  	_ =	swait.ge [sflag:s4], $0x100  }
0x1a: {  	[sflag:s4] =	ssyncset.done $0x0  }
0x1b: {  	[sflag:s4] =	ssyncadd.s32 $0xFFFFFF00  }
0x1c: {  	[tilespmem:s7], [sflag:$0x1] =	stream.indirect.gather [hbm4b:s1+s6], $0x80, s3, s6, $0xb8;
	[tilespmem:$0x8100] =	vst v63  }
0x1d: {  	_ =	swait.ge [sflag:s8], $0x4000  }
0x1e: {  	[sflag:s8] =	ssyncset.done $0x0  }
0x1f: {  	[sflag:s8] =	ssyncadd.s32 $0xFFFFC000  }
0x20: {  	[tilespmem:s9], [sflag:$0x1] =	stream.indirect.gather [hbm4b:s1+s6], $0x80, s6, s6, $0xb8;
	[tilespmem:$0x8100] =	vst v63  }
0x21: {  	_ =	swait.ge [sflag:s8], $0x4000  }
.Ltmp1:
0x22: {  	[sflag:s8] =	ssyncset.done $0x0;
	(pc) =	sbr.rel @p0 .LBB2_1-.Ltmp1, $4  }
0x23: {  	[sflag:s8] =	ssyncadd.s32 $0xFFFFC000  }
0x24: {  	[hbm4b:s10+s3] =	stream.linear.scatter [tilespmem:s7], [sflag:$0x2], $0x8000, $0x38;
	[tilespmem:$0x8100] =	vst v63  }
0x25: {  	_ =	swait.ge [sflag:s4], $0x8000  }
0x26: {  	[sflag:s4] =	ssyncset.done $0x0  }
.LBB2_2:
0x27: {  	[sflag:s4] =	ssyncadd.s32 $0xFFFF8000  }
0x28: {  	_ =	sfence.sel $0x180000  }
0x29: {  	[bflag:$0x0] =	sbarrier.arrive $0xFFFF  }
0x2a: {  	p0 =	sne.s32 s0, $0x0;
	_ =	strace $0x90000047  }
0x2b: {  	s0 =	sadd.s32 @!p0 $0x100000, s2;
	[bflag:$0x2] =	sbarrier.arrive $0xFFFF  }
0x2c: {  	[sflag:s0] =	ssyncadd.tile.s32 @!p0 $0x1;
	_ =	shalt  }
.Lfunc_end2:
_tile_overlayer_lowered:
.L_overlay_start_2:
0x2d: {  	(tag) =	ssettag $0x2  }
0x2e: {  	s0 =	rddreg [dreg:$0x0];
	s2 =	stileid.u32  }
0x2f: {  	s1 =	rddreg [dreg:$0x1];
	p0 =	sne.s32 s2, $0x0  }
0x30: {  	s3 =	rddreg [dreg:$0x2];
	[bflag:$0x3] =	sbarrier.arrive $0xFFFF;
	s2 =	simm.s32 @!p0 $0x1C02  }
0x31: {  	[timem:s3], [sflag:s2] =	dma.local @!p0 [hbm:s0], s1  }
0x32: {  	s0 =	simm.s32 @!p0 $0x2  }
0x33: {  	_ =	swait.ge @!p0 [sflag:s0], s1  }
0x34: {  	s1 =	ssub.s32 @!p0 $0x0, s1;
	[sflag:s0] =	ssyncset.done @!p0 $0x0  }
0x35: {  	[sflag:s0] =	ssyncadd.s32 @!p0 s1  }
0x36: {  	[bflag:$0x3] =	sbarrier.arrive $0xFFFF  }
0x37: {  	_ =	shalt  }

</sc_bundles>
